<compile_context>
chip_gen: v7x
topology: tpu7x:2x2x1
jax: 0.10.2.dev20260603
libtpu: 0.0.44.dev20260713+nightly
codegen_flags: <defaults>
</compile_context>

<pallas_src>
import functools

import jax
import jax.numpy as jnp
from jax import lax
from jax.experimental import pallas as pl
from jax.experimental.pallas import tpu as pltpu
from jax.experimental.pallas import tpu_sc as plsc

_NC = 2
_NS = 16
_NW = _NC * _NS
_L = 16

_ROWS = 2 * 4096
_C = 4096
_ROWS_PER_W = _ROWS // _NW
_R = 4
_CH = _ROWS_PER_W // _R
_HALF = _CH // 2


def _body(x_hbm, perm_hbm, out_hbm, perm_v, in0, in1, ob0, ob1,
          si0, si1, so0, so1):
    cid = lax.axis_index("c")
    sid = lax.axis_index("s")
    wid = sid * _NC + cid
    base = wid * _ROWS_PER_W

    pltpu.sync_copy(perm_hbm, perm_v)

    def in_copy(ch, buf, sem):
        return pltpu.make_async_copy(
            x_hbm.at[pl.ds((base + ch * _R) * _C, _R * _C)], buf, sem)

    def out_copy(ch, buf, sem):
        return pltpu.make_async_copy(
            buf, out_hbm.at[pl.ds((base + ch * _R) * _C, _R * _C)], sem)

    def compute(inbuf, outbuf):
        @plsc.parallel_loop(0, _C // _L, unroll=4)
        def _jstep(j):
            idx = perm_v[pl.ds(j * _L, _L)]
            for r in range(_R):
                v = plsc.load_gather(inbuf, [idx + r * _C])
                outbuf[pl.ds(r * _C + j * _L, _L)] = v

    in_copy(0, in0, si0).start()

    def pair(i, carry):
        ch0 = 2 * i
        in_copy(ch0, in0, si0).wait()
        in_copy(ch0 + 1, in1, si1).start()

        @pl.when(i > 0)
        def _():
            out_copy(ch0 - 2, ob0, so0).wait()

        compute(in0, ob0)
        out_copy(ch0, ob0, so0).start()

        in_copy(ch0 + 1, in1, si1).wait()

        @pl.when(i < _HALF - 1)
        def _():
            in_copy(ch0 + 2, in0, si0).start()

        @pl.when(i > 0)
        def _():
            out_copy(ch0 - 1, ob1, so1).wait()

        compute(in1, ob1)
        out_copy(ch0 + 1, ob1, so1).start()
        return carry

    lax.fori_loop(0, _HALF, pair, 0)
    out_copy(_CH - 2, ob0, so0).wait()
    out_copy(_CH - 1, ob1, so1).wait()


@jax.jit
def _shuffle(x2d, perm):
    mesh = plsc.VectorSubcoreMesh(core_axis_name="c", subcore_axis_name="s")
    f = functools.partial(
        pl.kernel,
        mesh=mesh,
        compiler_params=pltpu.CompilerParams(needs_layout_passes=False),
        out_type=jax.ShapeDtypeStruct((_ROWS * _C,), jnp.float32),
        scratch_types=[
            pltpu.VMEM((_C,), jnp.int32),
            pltpu.VMEM((_R * _C,), jnp.float32),
            pltpu.VMEM((_R * _C,), jnp.float32),
            pltpu.VMEM((_R * _C,), jnp.float32),
            pltpu.VMEM((_R * _C,), jnp.float32),
            pltpu.SemaphoreType.DMA,
            pltpu.SemaphoreType.DMA,
            pltpu.SemaphoreType.DMA,
            pltpu.SemaphoreType.DMA,
        ],
    )(_body)
    return f(x2d, perm)


def kernel(x):
    C = x.shape[-1]
    perm = jax.random.permutation(jax.random.key(42), C).astype(jnp.int32)
    out = _shuffle(x.reshape(-1), perm)
    return out.reshape(x.shape)

# --- scband reference (transcript-rebuilt; emitter-appended) ---
"""Pipeline reference for scband-shuffle-35974646072146 (READ-ONLY COPY).

The authoritative reference and input builder live on the scoring server;
editing this copy changes nothing except your own understanding.
"""

import jax, jax.numpy as jnp
import numpy as np

def setup_inputs(seed: int = 0) -> dict:
    key = jax.random.key(seed)
    x = jax.random.normal(key, (2, 4096, 4096), dtype=jnp.float32)
    return {"x": x}

def reference(x):
    # Original layer shuffles the channel (last) axis with a random permutation.
    # We use a fixed PRNG key so the reference is deterministic/reproducible.
    C = x.shape[-1]
    perm = jax.random.permutation(jax.random.key(42), C)
    return jnp.take(x, perm, axis=-1)

if __name__ == "__main__":
    import jax
    _d = setup_inputs()
    print(jax.jit(kernel)(*tuple(_d.values())))

</pallas_src>

<mosaic_0001>
#map = affine_map<(d0, d1) -> (0)>
module attributes {stable_mosaic.version = 14 : i64} {
  func.func @_body(%arg0: i32, %arg1: i32, %arg2: memref<33554432xf32, #tpu.memory_space<hbm>>, %arg3: memref<4096xi32, #tpu.memory_space<hbm>>, %arg4: memref<33554432xf32, #tpu.memory_space<hbm>>, %arg5: memref<4096xi32, #tpu.memory_space<vmem>>, %arg6: memref<16384xf32, #tpu.memory_space<vmem>>, %arg7: memref<16384xf32, #tpu.memory_space<vmem>>, %arg8: memref<16384xf32, #tpu.memory_space<vmem>>, %arg9: memref<16384xf32, #tpu.memory_space<vmem>>, %arg10: memref<!tpu.dma_semaphore, #tpu.memory_space<semaphore_mem>>, %arg11: memref<!tpu.dma_semaphore, #tpu.memory_space<semaphore_mem>>, %arg12: memref<!tpu.dma_semaphore, #tpu.memory_space<semaphore_mem>>, %arg13: memref<!tpu.dma_semaphore, #tpu.memory_space<semaphore_mem>>) attributes {dimension_semantics = [#tpu.dimension_semantics<core_parallel>, #tpu.dimension_semantics<subcore_parallel>], iteration_bounds = array<i64: 2, 16>, scalar_prefetch = 0 : i64, scratch_operands = 9 : i64, tpu.core_type = #tpu.core_type<sc_vector_subcore>, window_params = [{transform_indices = #map}, {transform_indices = #map}, {transform_indices = #map}]} {
    %mul3A = arith.constant 2 : i32
    %mul3A_0 = arith.muli %arg1, %mul3A : i32
    %add3A = arith.addi %mul3A_0, %arg0 : i32
    %mul3A_1 = arith.constant 256 : i32
    %mul3A_2 = arith.muli %add3A, %mul3A_1 : i32
    "tpu.region"() ({
      %run_scoped3A = tpu.sem_alloc : memref<!tpu.dma_semaphore, #tpu.memory_space<semaphore_mem>>
      tpu.enqueue_dma source(%arg3 : memref<4096xi32, #tpu.memory_space<hbm>>) target(%arg5 : memref<4096xi32, #tpu.memory_space<vmem>>) target_semaphore(%run_scoped3A : memref<!tpu.dma_semaphore, #tpu.memory_space<semaphore_mem>>)
      tpu.wait_dma2 semaphore(%run_scoped3A : memref<!tpu.dma_semaphore, #tpu.memory_space<semaphore_mem>>) src(%arg3 : memref<4096xi32, #tpu.memory_space<hbm>>) dst(%arg5 : memref<4096xi32, #tpu.memory_space<vmem>>)
      tpu.yield
    }) : () -> ()
    %add3A_3 = arith.constant 0 : i32
    %add3A_4 = arith.addi %mul3A_2, %add3A_3 : i32
    %mul3A_5 = arith.constant 4096 : i32
    %mul3A_6 = arith.muli %add3A_4, %mul3A_5 : i32
    %dma_start3A = tpu.memref_slice %arg2[%mul3A_6] : memref<33554432xf32, #tpu.memory_space<hbm>> -> memref<16384xf32, #tpu.memory_space<hbm>>
    %dma_start3A_7 = tpu.memref_slice %arg2[%mul3A_6] : memref<33554432xf32, #tpu.memory_space<hbm>> -> memref<16384xf32, #tpu.memory_space<hbm>>
    tpu.enqueue_dma source(%dma_start3A_7 : memref<16384xf32, #tpu.memory_space<hbm>>) target(%arg6 : memref<16384xf32, #tpu.memory_space<vmem>>) target_semaphore(%arg10 : memref<!tpu.dma_semaphore, #tpu.memory_space<semaphore_mem>>)
    %scan3A = arith.constant 0 : i32
    %scan3A_8 = arith.constant 0 : i32
    %scan3A_9 = arith.constant 32 : i32
    %scan3A_10 = arith.addi %scan3A_8, %scan3A_9 : i32
    %scan3A_11 = arith.constant 1 : i32
    scf.for %scan3A_24 = %scan3A_8 to %scan3A_10 step %scan3A_11  : i32 {
      %mul3A_25 = arith.constant 2 : i32
      %mul3A_26 = arith.muli %mul3A_25, %scan3A_24 : i32
      %mul3A_27 = arith.constant 4 : i32
      %mul3A_28 = arith.muli %mul3A_26, %mul3A_27 : i32
      %add3A_29 = arith.addi %mul3A_2, %mul3A_28 : i32
      %mul3A_30 = arith.constant 4096 : i32
      %mul3A_31 = arith.muli %add3A_29, %mul3A_30 : i32
      %dma_wait3A_32 = tpu.memref_slice %arg2[%mul3A_31] : memref<33554432xf32, #tpu.memory_space<hbm>> -> memref<16384xf32, #tpu.memory_space<hbm>>
      %dma_wait3A_33 = tpu.memref_slice %arg2[%mul3A_31] : memref<33554432xf32, #tpu.memory_space<hbm>> -> memref<16384xf32, #tpu.memory_space<hbm>>
      tpu.wait_dma2 semaphore(%arg10 : memref<!tpu.dma_semaphore, #tpu.memory_space<semaphore_mem>>) src(%dma_wait3A_33 : memref<16384xf32, #tpu.memory_space<hbm>>) dst(%arg6 : memref<16384xf32, #tpu.memory_space<vmem>>)
      %add3A_34 = arith.constant 1 : i32
      %add3A_35 = arith.addi %mul3A_26, %add3A_34 : i32
      %mul3A_36 = arith.constant 4 : i32
      %mul3A_37 = arith.muli %add3A_35, %mul3A_36 : i32
      %add3A_38 = arith.addi %mul3A_2, %mul3A_37 : i32
      %mul3A_39 = arith.constant 4096 : i32
      %mul3A_40 = arith.muli %add3A_38, %mul3A_39 : i32
      %dma_start3A_41 = tpu.memref_slice %arg2[%mul3A_40] : memref<33554432xf32, #tpu.memory_space<hbm>> -> memref<16384xf32, #tpu.memory_space<hbm>>
      %dma_start3A_42 = tpu.memref_slice %arg2[%mul3A_40] : memref<33554432xf32, #tpu.memory_space<hbm>> -> memref<16384xf32, #tpu.memory_space<hbm>>
      tpu.enqueue_dma source(%dma_start3A_42 : memref<16384xf32, #tpu.memory_space<hbm>>) target(%arg7 : memref<16384xf32, #tpu.memory_space<vmem>>) target_semaphore(%arg11 : memref<!tpu.dma_semaphore, #tpu.memory_space<semaphore_mem>>)
      %gt3A = arith.constant 0 : i32
      %gt3A_43 = arith.cmpi sgt, %scan3A_24, %gt3A : i32
      %convert_element_type3A = arith.extui %gt3A_43 : i1 to i32
      %cond3A = arith.constant 0 : i32
      %cond3A_44 = arith.cmpi ne, %convert_element_type3A, %cond3A : i32
      scf.if %cond3A_44 {
        %sub3A = arith.constant 2 : i32
        %sub3A_84 = arith.subi %mul3A_26, %sub3A : i32
        %mul3A_85 = arith.constant 4 : i32
        %mul3A_86 = arith.muli %sub3A_84, %mul3A_85 : i32
        %add3A_87 = arith.addi %mul3A_2, %mul3A_86 : i32
        %mul3A_88 = arith.constant 4096 : i32
        %mul3A_89 = arith.muli %add3A_87, %mul3A_88 : i32
        %dma_wait3A_90 = tpu.memref_slice %arg4[%mul3A_89] : memref<33554432xf32, #tpu.memory_space<hbm>> -> memref<16384xf32, #tpu.memory_space<hbm>>
        %dma_wait3A_91 = tpu.memref_slice %arg4[%mul3A_89] : memref<33554432xf32, #tpu.memory_space<hbm>> -> memref<16384xf32, #tpu.memory_space<hbm>>
        tpu.wait_dma2 semaphore(%arg12 : memref<!tpu.dma_semaphore, #tpu.memory_space<semaphore_mem>>) src(%arg8 : memref<16384xf32, #tpu.memory_space<vmem>>) dst(%dma_wait3A_91 : memref<16384xf32, #tpu.memory_space<hbm>>)
      } else {
      }
      %parallel_loop3A = arith.constant 0 : i32
      %parallel_loop3A_45 = arith.constant 256 : i32
      %parallel_loop3A_46 = arith.constant 1 : i32
      scf.for %parallel_loop3A_84 = %parallel_loop3A to %parallel_loop3A_45 step %parallel_loop3A_46  : i32 {
        %parallel_loop3A_85 = arith.constant 16 : i32
        %parallel_loop3A_86 = arith.muli %parallel_loop3A_84, %parallel_loop3A_85 : i32
        %parallel_loop3A_87 = arith.index_cast %parallel_loop3A_86 : i32 to index
        %parallel_loop3A_88 = tpu.vector_load %arg5[%parallel_loop3A_87] {strides = array<i32>} : memref<4096xi32, #tpu.memory_space<vmem>>, vector<16xi32>,
        %parallel_loop3A_89 = arith.constant 0 : i32
        %parallel_loop3A_90 = vector.broadcast %parallel_loop3A_89 : i32 to vector<16xi32>
        %parallel_loop3A_91 = arith.addi %parallel_loop3A_88, %parallel_loop3A_90 : vector<16xi32>
        %parallel_loop3A_92 = tpu.vector_load_idx %arg6[%parallel_loop3A_91] : memref<16384xf32, #tpu.memory_space<vmem>>[vector<16xi32>], vector<16xf32>,
        %parallel_loop3A_93 = arith.constant 16 : i32
        %parallel_loop3A_94 = arith.muli %parallel_loop3A_84, %parallel_loop3A_93 : i32
        %parallel_loop3A_95 = arith.constant 0 : i32
        %parallel_loop3A_96 = arith.addi %parallel_loop3A_95, %parallel_loop3A_94 : i32
        %parallel_loop3A_97 = arith.index_cast %parallel_loop3A_96 : i32 to index
        %parallel_loop3A_98 = tpu.vector_load %arg8[%parallel_loop3A_97] {strides = array<i32>} : memref<16384xf32, #tpu.memory_space<vmem>>, vector<16xf32>,
        tpu.vector_store %arg8[%parallel_loop3A_97], %parallel_loop3A_92 {strides = array<i32>} : memref<16384xf32, #tpu.memory_space<vmem>>, vector<16xf32>,
        %parallel_loop3A_99 = arith.constant 4096 : i32
        %parallel_loop3A_100 = vector.broadcast %parallel_loop3A_99 : i32 to vector<16xi32>
        %parallel_loop3A_101 = arith.addi %parallel_loop3A_88, %parallel_loop3A_100 : vector<16xi32>
        %parallel_loop3A_102 = tpu.vector_load_idx %arg6[%parallel_loop3A_101] : memref<16384xf32, #tpu.memory_space<vmem>>[vector<16xi32>], vector<16xf32>,
        %parallel_loop3A_103 = arith.constant 16 : i32
        %parallel_loop3A_104 = arith.muli %parallel_loop3A_84, %parallel_loop3A_103 : i32
        %parallel_loop3A_105 = arith.constant 4096 : i32
        %parallel_loop3A_106 = arith.addi %parallel_loop3A_105, %parallel_loop3A_104 : i32
        %parallel_loop3A_107 = arith.index_cast %parallel_loop3A_106 : i32 to index
        %parallel_loop3A_108 = tpu.vector_load %arg8[%parallel_loop3A_107] {strides = array<i32>} : memref<16384xf32, #tpu.memory_space<vmem>>, vector<16xf32>,
        tpu.vector_store %arg8[%parallel_loop3A_107], %parallel_loop3A_102 {strides = array<i32>} : memref<16384xf32, #tpu.memory_space<vmem>>, vector<16xf32>,
        %parallel_loop3A_109 = arith.constant 8192 : i32
        %parallel_loop3A_110 = vector.broadcast %parallel_loop3A_109 : i32 to vector<16xi32>
        %parallel_loop3A_111 = arith.addi %parallel_loop3A_88, %parallel_loop3A_110 : vector<16xi32>
        %parallel_loop3A_112 = tpu.vector_load_idx %arg6[%parallel_loop3A_111] : memref<16384xf32, #tpu.memory_space<vmem>>[vector<16xi32>], vector<16xf32>,
        %parallel_loop3A_113 = arith.constant 16 : i32
        %parallel_loop3A_114 = arith.muli %parallel_loop3A_84, %parallel_loop3A_113 : i32
        %parallel_loop3A_115 = arith.constant 8192 : i32
        %parallel_loop3A_116 = arith.addi %parallel_loop3A_115, %parallel_loop3A_114 : i32
        %parallel_loop3A_117 = arith.index_cast %parallel_loop3A_116 : i32 to index
        %parallel_loop3A_118 = tpu.vector_load %arg8[%parallel_loop3A_117] {strides = array<i32>} : memref<16384xf32, #tpu.memory_space<vmem>>, vector<16xf32>,
        tpu.vector_store %arg8[%parallel_loop3A_117], %parallel_loop3A_112 {strides = array<i32>} : memref<16384xf32, #tpu.memory_space<vmem>>, vector<16xf32>,
        %parallel_loop3A_119 = arith.constant 12288 : i32
        %parallel_loop3A_120 = vector.broadcast %parallel_loop3A_119 : i32 to vector<16xi32>
        %parallel_loop3A_121 = arith.addi %parallel_loop3A_88, %parallel_loop3A_120 : vector<16xi32>
        %parallel_loop3A_122 = tpu.vector_load_idx %arg6[%parallel_loop3A_121] : memref<16384xf32, #tpu.memory_space<vmem>>[vector<16xi32>], vector<16xf32>,
        %parallel_loop3A_123 = arith.constant 16 : i32
        %parallel_loop3A_124 = arith.muli %parallel_loop3A_84, %parallel_loop3A_123 : i32
        %parallel_loop3A_125 = arith.constant 12288 : i32
        %parallel_loop3A_126 = arith.addi %parallel_loop3A_125, %parallel_loop3A_124 : i32
        %parallel_loop3A_127 = arith.index_cast %parallel_loop3A_126 : i32 to index
        %parallel_loop3A_128 = tpu.vector_load %arg8[%parallel_loop3A_127] {strides = array<i32>} : memref<16384xf32, #tpu.memory_space<vmem>>, vector<16xf32>,
        tpu.vector_store %arg8[%parallel_loop3A_127], %parallel_loop3A_122 {strides = array<i32>} : memref<16384xf32, #tpu.memory_space<vmem>>, vector<16xf32>,
      } {sc.loop_unroll_factor = 4 : i64, sc.parallel_access}
      %mul3A_47 = arith.constant 4 : i32
      %mul3A_48 = arith.muli %mul3A_26, %mul3A_47 : i32
      %add3A_49 = arith.addi %mul3A_2, %mul3A_48 : i32
      %mul3A_50 = arith.constant 4096 : i32
      %mul3A_51 = arith.muli %add3A_49, %mul3A_50 : i32
      %dma_start3A_52 = tpu.memref_slice %arg4[%mul3A_51] : memref<33554432xf32, #tpu.memory_space<hbm>> -> memref<16384xf32, #tpu.memory_space<hbm>>
      %dma_start3A_53 = tpu.memref_slice %arg4[%mul3A_51] : memref<33554432xf32, #tpu.memory_space<hbm>> -> memref<16384xf32, #tpu.memory_space<hbm>>
      tpu.enqueue_dma source(%arg8 : memref<16384xf32, #tpu.memory_space<vmem>>) target(%dma_start3A_53 : memref<16384xf32, #tpu.memory_space<hbm>>) target_semaphore(%arg12 : memref<!tpu.dma_semaphore, #tpu.memory_space<semaphore_mem>>)
      %add3A_54 = arith.constant 1 : i32
      %add3A_55 = arith.addi %mul3A_26, %add3A_54 : i32
      %mul3A_56 = arith.constant 4 : i32
      %mul3A_57 = arith.muli %add3A_55, %mul3A_56 : i32
      %add3A_58 = arith.addi %mul3A_2, %mul3A_57 : i32
      %mul3A_59 = arith.constant 4096 : i32
      %mul3A_60 = arith.muli %add3A_58, %mul3A_59 : i32
      %dma_wait3A_61 = tpu.memref_slice %arg2[%mul3A_60] : memref<33554432xf32, #tpu.memory_space<hbm>> -> memref<16384xf32, #tpu.memory_space<hbm>>
      %dma_wait3A_62 = tpu.memref_slice %arg2[%mul3A_60] : memref<33554432xf32, #tpu.memory_space<hbm>> -> memref<16384xf32, #tpu.memory_space<hbm>>
      tpu.wait_dma2 semaphore(%arg11 : memref<!tpu.dma_semaphore, #tpu.memory_space<semaphore_mem>>) src(%dma_wait3A_62 : memref<16384xf32, #tpu.memory_space<hbm>>) dst(%arg7 : memref<16384xf32, #tpu.memory_space<vmem>>)
      %lt3A = arith.constant 31 : i32
      %lt3A_63 = arith.cmpi slt, %scan3A_24, %lt3A : i32
      %convert_element_type3A_64 = arith.extui %lt3A_63 : i1 to i32
      %cond3A_65 = arith.constant 0 : i32
      %cond3A_66 = arith.cmpi ne, %convert_element_type3A_64, %cond3A_65 : i32
      scf.if %cond3A_66 {
        %add3A_84 = arith.constant 2 : i32
        %add3A_85 = arith.addi %mul3A_26, %add3A_84 : i32
        %mul3A_86 = arith.constant 4 : i32
        %mul3A_87 = arith.muli %add3A_85, %mul3A_86 : i32
        %add3A_88 = arith.addi %mul3A_2, %mul3A_87 : i32
        %mul3A_89 = arith.constant 4096 : i32
        %mul3A_90 = arith.muli %add3A_88, %mul3A_89 : i32
        %dma_start3A_91 = tpu.memref_slice %arg2[%mul3A_90] : memref<33554432xf32, #tpu.memory_space<hbm>> -> memref<16384xf32, #tpu.memory_space<hbm>>
        %dma_start3A_92 = tpu.memref_slice %arg2[%mul3A_90] : memref<33554432xf32, #tpu.memory_space<hbm>> -> memref<16384xf32, #tpu.memory_space<hbm>>
        tpu.enqueue_dma source(%dma_start3A_92 : memref<16384xf32, #tpu.memory_space<hbm>>) target(%arg6 : memref<16384xf32, #tpu.memory_space<vmem>>) target_semaphore(%arg10 : memref<!tpu.dma_semaphore, #tpu.memory_space<semaphore_mem>>)
      } else {
      }
      %gt3A_67 = arith.constant 0 : i32
      %gt3A_68 = arith.cmpi sgt, %scan3A_24, %gt3A_67 : i32
      %convert_element_type3A_69 = arith.extui %gt3A_68 : i1 to i32
      %cond3A_70 = arith.constant 0 : i32
      %cond3A_71 = arith.cmpi ne, %convert_element_type3A_69, %cond3A_70 : i32
      scf.if %cond3A_71 {
        %sub3A = arith.constant 1 : i32
        %sub3A_84 = arith.subi %mul3A_26, %sub3A : i32
        %mul3A_85 = arith.constant 4 : i32
        %mul3A_86 = arith.muli %sub3A_84, %mul3A_85 : i32
        %add3A_87 = arith.addi %mul3A_2, %mul3A_86 : i32
        %mul3A_88 = arith.constant 4096 : i32
        %mul3A_89 = arith.muli %add3A_87, %mul3A_88 : i32
        %dma_wait3A_90 = tpu.memref_slice %arg4[%mul3A_89] : memref<33554432xf32, #tpu.memory_space<hbm>> -> memref<16384xf32, #tpu.memory_space<hbm>>
        %dma_wait3A_91 = tpu.memref_slice %arg4[%mul3A_89] : memref<33554432xf32, #tpu.memory_space<hbm>> -> memref<16384xf32, #tpu.memory_space<hbm>>
        tpu.wait_dma2 semaphore(%arg13 : memref<!tpu.dma_semaphore, #tpu.memory_space<semaphore_mem>>) src(%arg9 : memref<16384xf32, #tpu.memory_space<vmem>>) dst(%dma_wait3A_91 : memref<16384xf32, #tpu.memory_space<hbm>>)
      } else {
      }
      %parallel_loop3A_72 = arith.constant 0 : i32
      %parallel_loop3A_73 = arith.constant 256 : i32
      %parallel_loop3A_74 = arith.constant 1 : i32
      scf.for %parallel_loop3A_84 = %parallel_loop3A_72 to %parallel_loop3A_73 step %parallel_loop3A_74  : i32 {
        %parallel_loop3A_85 = arith.constant 16 : i32
        %parallel_loop3A_86 = arith.muli %parallel_loop3A_84, %parallel_loop3A_85 : i32
        %parallel_loop3A_87 = arith.index_cast %parallel_loop3A_86 : i32 to index
        %parallel_loop3A_88 = tpu.vector_load %arg5[%parallel_loop3A_87] {strides = array<i32>} : memref<4096xi32, #tpu.memory_space<vmem>>, vector<16xi32>,
        %parallel_loop3A_89 = arith.constant 0 : i32
        %parallel_loop3A_90 = vector.broadcast %parallel_loop3A_89 : i32 to vector<16xi32>
        %parallel_loop3A_91 = arith.addi %parallel_loop3A_88, %parallel_loop3A_90 : vector<16xi32>
        %parallel_loop3A_92 = tpu.vector_load_idx %arg7[%parallel_loop3A_91] : memref<16384xf32, #tpu.memory_space<vmem>>[vector<16xi32>], vector<16xf32>,
        %parallel_loop3A_93 = arith.constant 16 : i32
        %parallel_loop3A_94 = arith.muli %parallel_loop3A_84, %parallel_loop3A_93 : i32
        %parallel_loop3A_95 = arith.constant 0 : i32
        %parallel_loop3A_96 = arith.addi %parallel_loop3A_95, %parallel_loop3A_94 : i32
        %parallel_loop3A_97 = arith.index_cast %parallel_loop3A_96 : i32 to index
        %parallel_loop3A_98 = tpu.vector_load %arg9[%parallel_loop3A_97] {strides = array<i32>} : memref<16384xf32, #tpu.memory_space<vmem>>, vector<16xf32>,
        tpu.vector_store %arg9[%parallel_loop3A_97], %parallel_loop3A_92 {strides = array<i32>} : memref<16384xf32, #tpu.memory_space<vmem>>, vector<16xf32>,
        %parallel_loop3A_99 = arith.constant 4096 : i32
        %parallel_loop3A_100 = vector.broadcast %parallel_loop3A_99 : i32 to vector<16xi32>
        %parallel_loop3A_101 = arith.addi %parallel_loop3A_88, %parallel_loop3A_100 : vector<16xi32>
        %parallel_loop3A_102 = tpu.vector_load_idx %arg7[%parallel_loop3A_101] : memref<16384xf32, #tpu.memory_space<vmem>>[vector<16xi32>], vector<16xf32>,
        %parallel_loop3A_103 = arith.constant 16 : i32
        %parallel_loop3A_104 = arith.muli %parallel_loop3A_84, %parallel_loop3A_103 : i32
        %parallel_loop3A_105 = arith.constant 4096 : i32
        %parallel_loop3A_106 = arith.addi %parallel_loop3A_105, %parallel_loop3A_104 : i32
        %parallel_loop3A_107 = arith.index_cast %parallel_loop3A_106 : i32 to index
        %parallel_loop3A_108 = tpu.vector_load %arg9[%parallel_loop3A_107] {strides = array<i32>} : memref<16384xf32, #tpu.memory_space<vmem>>, vector<16xf32>,
        tpu.vector_store %arg9[%parallel_loop3A_107], %parallel_loop3A_102 {strides = array<i32>} : memref<16384xf32, #tpu.memory_space<vmem>>, vector<16xf32>,
        %parallel_loop3A_109 = arith.constant 8192 : i32
        %parallel_loop3A_110 = vector.broadcast %parallel_loop3A_109 : i32 to vector<16xi32>
        %parallel_loop3A_111 = arith.addi %parallel_loop3A_88, %parallel_loop3A_110 : vector<16xi32>
        %parallel_loop3A_112 = tpu.vector_load_idx %arg7[%parallel_loop3A_111] : memref<16384xf32, #tpu.memory_space<vmem>>[vector<16xi32>], vector<16xf32>,
        %parallel_loop3A_113 = arith.constant 16 : i32
        %parallel_loop3A_114 = arith.muli %parallel_loop3A_84, %parallel_loop3A_113 : i32
        %parallel_loop3A_115 = arith.constant 8192 : i32
        %parallel_loop3A_116 = arith.addi %parallel_loop3A_115, %parallel_loop3A_114 : i32
        %parallel_loop3A_117 = arith.index_cast %parallel_loop3A_116 : i32 to index
        %parallel_loop3A_118 = tpu.vector_load %arg9[%parallel_loop3A_117] {strides = array<i32>} : memref<16384xf32, #tpu.memory_space<vmem>>, vector<16xf32>,
        tpu.vector_store %arg9[%parallel_loop3A_117], %parallel_loop3A_112 {strides = array<i32>} : memref<16384xf32, #tpu.memory_space<vmem>>, vector<16xf32>,
        %parallel_loop3A_119 = arith.constant 12288 : i32
        %parallel_loop3A_120 = vector.broadcast %parallel_loop3A_119 : i32 to vector<16xi32>
        %parallel_loop3A_121 = arith.addi %parallel_loop3A_88, %parallel_loop3A_120 : vector<16xi32>
        %parallel_loop3A_122 = tpu.vector_load_idx %arg7[%parallel_loop3A_121] : memref<16384xf32, #tpu.memory_space<vmem>>[vector<16xi32>], vector<16xf32>,
        %parallel_loop3A_123 = arith.constant 16 : i32
        %parallel_loop3A_124 = arith.muli %parallel_loop3A_84, %parallel_loop3A_123 : i32
        %parallel_loop3A_125 = arith.constant 12288 : i32
        %parallel_loop3A_126 = arith.addi %parallel_loop3A_125, %parallel_loop3A_124 : i32
        %parallel_loop3A_127 = arith.index_cast %parallel_loop3A_126 : i32 to index
        %parallel_loop3A_128 = tpu.vector_load %arg9[%parallel_loop3A_127] {strides = array<i32>} : memref<16384xf32, #tpu.memory_space<vmem>>, vector<16xf32>,
        tpu.vector_store %arg9[%parallel_loop3A_127], %parallel_loop3A_122 {strides = array<i32>} : memref<16384xf32, #tpu.memory_space<vmem>>, vector<16xf32>,
      } {sc.loop_unroll_factor = 4 : i64, sc.parallel_access}
      %add3A_75 = arith.constant 1 : i32
      %add3A_76 = arith.addi %mul3A_26, %add3A_75 : i32
      %mul3A_77 = arith.constant 4 : i32
      %mul3A_78 = arith.muli %add3A_76, %mul3A_77 : i32
      %add3A_79 = arith.addi %mul3A_2, %mul3A_78 : i32
      %mul3A_80 = arith.constant 4096 : i32
      %mul3A_81 = arith.muli %add3A_79, %mul3A_80 : i32
      %dma_start3A_82 = tpu.memref_slice %arg4[%mul3A_81] : memref<33554432xf32, #tpu.memory_space<hbm>> -> memref<16384xf32, #tpu.memory_space<hbm>>
      %dma_start3A_83 = tpu.memref_slice %arg4[%mul3A_81] : memref<33554432xf32, #tpu.memory_space<hbm>> -> memref<16384xf32, #tpu.memory_space<hbm>>
      tpu.enqueue_dma source(%arg9 : memref<16384xf32, #tpu.memory_space<vmem>>) target(%dma_start3A_83 : memref<16384xf32, #tpu.memory_space<hbm>>) target_semaphore(%arg13 : memref<!tpu.dma_semaphore, #tpu.memory_space<semaphore_mem>>)
    }
    %scan3A_12 = arith.constant 32 : i32
    %add3A_13 = arith.constant 248 : i32
    %add3A_14 = arith.addi %mul3A_2, %add3A_13 : i32
    %mul3A_15 = arith.constant 4096 : i32
    %mul3A_16 = arith.muli %add3A_14, %mul3A_15 : i32
    %dma_wait3A = tpu.memref_slice %arg4[%mul3A_16] : memref<33554432xf32, #tpu.memory_space<hbm>> -> memref<16384xf32, #tpu.memory_space<hbm>>
    %dma_wait3A_17 = tpu.memref_slice %arg4[%mul3A_16] : memref<33554432xf32, #tpu.memory_space<hbm>> -> memref<16384xf32, #tpu.memory_space<hbm>>
    tpu.wait_dma2 semaphore(%arg12 : memref<!tpu.dma_semaphore, #tpu.memory_space<semaphore_mem>>) src(%arg8 : memref<16384xf32, #tpu.memory_space<vmem>>) dst(%dma_wait3A_17 : memref<16384xf32, #tpu.memory_space<hbm>>)
    %add3A_18 = arith.constant 252 : i32
    %add3A_19 = arith.addi %mul3A_2, %add3A_18 : i32
    %mul3A_20 = arith.constant 4096 : i32
    %mul3A_21 = arith.muli %add3A_19, %mul3A_20 : i32
    %dma_wait3A_22 = tpu.memref_slice %arg4[%mul3A_21] : memref<33554432xf32, #tpu.memory_space<hbm>> -> memref<16384xf32, #tpu.memory_space<hbm>>
    %dma_wait3A_23 = tpu.memref_slice %arg4[%mul3A_21] : memref<33554432xf32, #tpu.memory_space<hbm>> -> memref<16384xf32, #tpu.memory_space<hbm>>
    tpu.wait_dma2 semaphore(%arg13 : memref<!tpu.dma_semaphore, #tpu.memory_space<semaphore_mem>>) src(%arg9 : memref<16384xf32, #tpu.memory_space<vmem>>) dst(%dma_wait3A_23 : memref<16384xf32, #tpu.memory_space<hbm>>)
    return
  }
}

</mosaic_0001>

<sc_bundles>
// kernel: _shuffle.3.cloned.1.call-start
scs
__scs_entry_jumppad:
0x0: {  	(pc) =	sbr.rel $0x88, $3  }
0x1: {  	(tag) =	ssettag $0x0;
	lr =	simm.s32 $0x1  }
0x2: {  	[smem:$0x3F9F] =	sst lr;
	_ =	strace $0xD0000000  }
0x3: {  	_ = 	snop  }
0x4: {  	_ = 	snop  }
0x5: {  	_ = 	snop  }
0x6: {  	_ = 	snop  }
0x7: {  	_ = 	snop  }
__scs_overlays_trampoline_lowered:
0x8: {  	[smem:$0x3FAE] =	sst s0  }
0x9: {  	[smem:$0x3FAF] =	sst s1  }
0xa: {  	[smem:$0x3FB0] =	sst s2  }
0xb: {  	[smem:$0x3FB1] =	sst s3  }
0xc: {  	[smem:$0x3FB2] =	sst s4  }
0xd: {  	[smem:$0x3FB3] =	sst s5  }
0xe: {  	[smem:$0x3FB4] =	sst s6  }
0xf: {  	[smem:$0x3FB5] =	sst s7  }
0x10: {  	[smem:$0x3FB6] =	sst s8  }
0x11: {  	[smem:$0x3FB7] =	sst s9;
	s0 =	simm.s32 @!p0 $0x0  }
0x12: {  	s1 =	sld [smem:$0x3F9D];
	s0 =	simm.s32 @p0 $0x1  }
0x13: {  	[smem:$0x3FB8] =	sst s0;
	s0 =	simm.s32 @!p1 $0x0  }
0x14: {  	s2 =	sld [smem:$0x3F9C];
	s0 =	simm.s32 @p1 $0x1  }
0x15: {  	[smem:$0x3FB9] =	sst s0;
	s0 =	simm.s32 @!p2 $0x0  }
0x16: {  	s3 =	sld [smem:$0x3FDB];
	s0 =	simm.s32 @p2 $0x1  }
0x17: {  	s4 =	simm.s32 $0x1BF5;
	[smem:$0x3FBB] =	sst s0  }
0x18: {  	s0 =	sld [smem:$0x3F9E];
	_ =	swait.ge [sflag:s4], $0x0  }
0x19: {  	s7 =	sld [smem:$0x3F9F]  }
0x1a: {  	s8 =	sadd.s32 $0xFFFFE003, lr  }
0x1b: {  	s9 =	sadd.s32 $0xFFFFFEF7, lr;
	s5 =	simm.s32 $0xFFFFFFFF;
	p2 =	slt.u32 s8, $0xFFFFF086  }
0x1c: {  	p1 =	slt.u32 s9, $0xF7A;
	s5 =	simm.s32 @!p2 $0x0  }
0x1d: {  	s5 =	simm.s32 @p1 $0x1;
	p0 =	seq.s32 s7, s2  }
0x1e: {  	s7 =	smul.u32 @!p0 $0xF7A, s2;
	p2 =	seq.s32 @!p0 s5, $0x0  }
0x1f: {  	s9 =	smul.u32 $0xF7A, s1;
	s8 =	simm.s32 @!p0 $0x1BF5;
	p2 =	por !p2, p0  }
0x20: {  	[sflag:s8] =	ssyncset.s32 @!p0 $0xFFFFF086;
	s6 =	sadd.s32 @!p0 s3, s7;
	s7 =	simm.s32 @!p0 $0x108  }
0x21: {  	s3 =	sadd.s32 s3, s9;
	s6 =	sadd.s32 @!p0 $0x88, s6;
	s7 =	simm.s32 @p2 $0x1082  }
0x22: {  	[simem:s7], [sflag:s8] =	dma.local @!p0 [hbm:s6], $0xF7A  }
0x23: {  	s9 =	sor.u32 $0xD0000000, s2;
	s6 =	simm.s32 $0x108;
	_ =	swait.ge @!p0 [sflag:s8], $0x0  }
0x24: {  	s3 =	sadd.s32 $0x88, s3;
	s6 =	simm.s32 @!p1 $0x1082;
	[sflag:s4] =	ssyncset.s32 $0xFFFFF086  }
0x25: {  	[simem:s6], [sflag:s4] =	dma.local [hbm:s3], $0xF7A  }
0x26: {  	[smem:$0x3F9F] =	sst s1;
	(tag) =	ssettag s2;
	_ =	strace s9  }
0x27: {  	s1 =	sld [smem:$0x3FAF]  }
0x28: {  	s2 =	sld [smem:$0x3FB0]  }
0x29: {  	s4 =	sld [smem:$0x3FB2]  }
0x2a: {  	p0 =	seq.s32 s5, $0x0;
	s5 =	sld [smem:$0x3FB3]  }
0x2b: {  	s6 =	sld [smem:$0x3FB4]  }
0x2c: {  	s7 =	sld [smem:$0x3FB5]  }
0x2d: {  	s3 =	simm.s32 $0x108;
	s8 =	sld [smem:$0x3FB6]  }
0x2e: {  	s3 =	simm.s32 @!p0 $0x1082;
	s9 =	sld [smem:$0x3FB7]  }
0x2f: {  	lr =	sadd.s32 s0, s3;
	s0 =	sld [smem:$0x3FAE]  }
0x30: {  	s3 =	sld [smem:$0x3FB1]  }
0x31: {  	[smem:$0x3FBA] =	sst s10  }
0x32: {  	s10 =	sld [smem:$0x3FB8];
	_ =	sdelay $0x3  }
0x33: {  	p0 =	seq.s32 s10, $0x1;
	s10 =	sld [smem:$0x3FBA];
	_ =	sdelay $0x3  }
0x34: {  	[smem:$0x3FBA] =	sst s10  }
0x35: {  	s10 =	sld [smem:$0x3FB9];
	_ =	sdelay $0x3  }
0x36: {  	p1 =	seq.s32 s10, $0x1;
	s10 =	sld [smem:$0x3FBA];
	_ =	sdelay $0x3  }
0x37: {  	[smem:$0x3FBA] =	sst s10  }
0x38: {  	s10 =	sld [smem:$0x3FBB]  }
0x39: {  	_ = 	snop;
	(pc) =	sbr.ind lr, $3  }
0x3a: {  	_ = 	snop  }
0x3b: {  	_ = 	snop  }
0x3c: {  	p2 =	seq.s32 s10, $0x1;
	s10 =	sld [smem:$0x3FBA]  }
0x3d: {  	_ =	shalt  }
0x3e: {  	_ =	shalt  }
0x3f: {  	_ =	shalt  }
0x40: {  	_ =	shalt  }
0x41: {  	_ =	shalt  }
0x42: {  	_ =	shalt  }
0x43: {  	_ =	shalt  }
0x44: {  	_ =	shalt  }
0x45: {  	_ =	shalt  }
0x46: {  	_ =	shalt  }
0x47: {  	_ =	shalt  }
0x48: {  	_ =	shalt  }
0x49: {  	_ =	shalt  }
0x4a: {  	_ =	shalt  }
0x4b: {  	_ =	shalt  }
0x4c: {  	_ =	shalt  }
0x4d: {  	_ =	shalt  }
0x4e: {  	_ =	shalt  }
0x4f: {  	_ =	shalt  }
0x50: {  	_ =	shalt  }
0x51: {  	_ =	shalt  }
0x52: {  	_ =	shalt  }
0x53: {  	_ =	shalt  }
0x54: {  	_ =	shalt  }
0x55: {  	_ =	shalt  }
0x56: {  	_ =	shalt  }
0x57: {  	_ =	shalt  }
0x58: {  	_ =	shalt  }
0x59: {  	_ =	shalt  }
0x5a: {  	_ =	shalt  }
0x5b: {  	_ =	shalt  }
0x5c: {  	_ =	shalt  }
0x5d: {  	_ =	shalt  }
0x5e: {  	_ =	shalt  }
0x5f: {  	_ =	shalt  }
0x60: {  	_ =	shalt  }
0x61: {  	_ =	shalt  }
0x62: {  	_ =	shalt  }
0x63: {  	_ =	shalt  }
0x64: {  	_ =	shalt  }
0x65: {  	_ =	shalt  }
0x66: {  	_ =	shalt  }
0x67: {  	_ =	shalt  }
0x68: {  	_ =	shalt  }
0x69: {  	_ =	shalt  }
0x6a: {  	_ =	shalt  }
0x6b: {  	_ =	shalt  }
0x6c: {  	_ =	shalt  }
0x6d: {  	_ =	shalt  }
0x6e: {  	_ =	shalt  }
0x6f: {  	_ =	shalt  }
0x70: {  	_ =	shalt  }
0x71: {  	_ =	shalt  }
0x72: {  	_ =	shalt  }
0x73: {  	_ =	shalt  }
0x74: {  	_ =	shalt  }
0x75: {  	_ =	shalt  }
0x76: {  	_ =	shalt  }
0x77: {  	_ =	shalt  }
0x78: {  	_ =	shalt  }
0x79: {  	_ =	shalt  }
0x7a: {  	_ =	shalt  }
0x7b: {  	_ =	shalt  }
0x7c: {  	_ =	shalt  }
0x7d: {  	_ =	shalt  }
0x7e: {  	_ =	shalt  }
0x7f: {  	_ =	shalt  }
0x80: {  	_ =	shalt  }
0x81: {  	_ =	shalt  }
0x82: {  	_ =	shalt  }
0x83: {  	_ =	shalt  }
0x84: {  	_ =	shalt  }
0x85: {  	_ =	shalt  }
0x86: {  	_ =	shalt  }
0x87: {  	_ =	shalt  }
.Lfunc_end0:
.L_simem_size_0:
called_computation_lowered:
.L_overlay_start_0:
0x88: {  	s2 =	sld [smem:$0x3FD9]  }
0x89: {  	s3 =	sld [smem:$0x3FFE];
	_ =	sdelay $0x1  }
0x8a: {  	s1 =	srdreg.scid  }
0x8b: {  	s0 =	sand.u32 $0x1, s1  }
0x8c: {  	s18 =	sshll.u32 s0, $0xA;
	s2 =	sadd.s32 s3, s2  }
0x8d: {  	s2 =	sadd.s32 s2, s18  }
0x8e: {  	[smem:$0x3FC6] =	sst s2  }
0x8f: {  	_ = 	snop  }
0x90: {  	s2 =	sld [smem:$0x3FC9]  }
0x91: {  	s19 =	sld [smem:$0x3FC8]  }
0x92: {  	s4 =	sld [smem:$0x3FD0];
	(tm) =	ssettm $0x1  }
0x93: {  	s5 =	sld [smem:$0x3FFB];
	_ =	sdelay $0x3  }
0x94: {  	_ =	strace s5  }
0x95: {  	s5 =	sld [smem:$0x3FFC];
	_ =	sdelay $0x3  }
0x96: {  	_ =	strace s5  }
0x97: {  	s5 =	sld [smem:$0x3FFD];
	_ =	sdelay $0x3  }
0x98: {  	_ =	strace s5  }
0x99: {  	_ =	strace $0x8FFFFFFF  }
0x9a: {  	s20 =	sld [smem:$0x3FDB];
	_ =	sdelay $0x1  }
0x9b: {  	s6 =	simm.s32 $_scs_section_size  }
0x9c: {  	s7 =	simm.s32 $_size__tile_overlayer_lowered;
	s8 =	simm.s32 $_tile_overlayer_lowered  }
0x9d: {  	s23 =	simm.s32 $0x1BFF;
	s22 =	sshll.u32 s8, $0x1;
	s5 =	sadd.s32 s6, s20  }
0x9e: {  	s9 =	simm.s32 $0x0;
	s21 =	sshll.u32 s7, $0x1;
	s7 =	sadd.s32 s22, s5  }
0x9f: {  	[timem:s9], [sflag:s23] =	dma.local [hbm:s7], s21  }
0xa0: {  	_ =	swait.ge [sflag:s23], s21  }
0xa1: {  	s6 =	ssub.s32 $0x0, s21;
	[sflag:s23] =	ssyncset.done $0x0  }
0xa2: {  	[sflag:s23] =	ssyncadd.s32 s6;
	_ =	sdelay $0x1  }
0xa3: {  	s24 =	simm.s32 $0x1B8B  }
0xa4: {  	_ =	swait.ge [sflag:s24], $0x1  }
0xa5: {  	[sflag:s24] =	ssyncset.done $0x0  }
0xa6: {  	s25 =	simm.s32 $0x1B8E;
	[sflag:s24] =	ssyncadd.s32 $0xFFFFFFFF  }
0xa7: {  	s26 =	simm.s32 $execute0_lowered;
	[smem:$0x3FD2] =	sst s25  }
0xa8: {  	s6 =	sshll.u32 s26, $0x1;
	_ =	strace $0x80000046;
	[dreg:$0x1] =	wrdreg $0xFFFFFFFF  }
0xa9: {  	s28 =	simm.s32 $_size_execute0_lowered;
	s5 =	sadd.s32 s5, s6;
	[dreg:$0x0] =	wrdreg $0x0  }
0xaa: {  	s6 =	sshll.u32 s28, $0x1;
	[dreg:$0x2] =	wrdreg s5  }
0xab: {  	[dreg:$0x3] =	wrdreg s6  }
0xac: {  	[dreg:$0x4] =	wrdreg $0xC0  }
0xad: {  	_ =	task [dreg:s9], $0x5FFFF  }
0xae: {  	[dreg:$0x1] =	wrdreg $0xFFFFFFFF  }
0xaf: {  	[dreg:$0x0] =	wrdreg $0x60  }
0xb0: {  	[dreg:$0x2] =	wrdreg s2  }
0xb1: {  	[dreg:$0x3] =	wrdreg s19  }
0xb2: {  	[dreg:$0x4] =	wrdreg s4  }
0xb3: {  	[dreg:$0x5] =	wrdreg $0x9  }
0xb4: {  	_ =	task.clear_ibuf [dreg:s9], $0x6FFFF;
	_ =	strace $0x90000046  }
0xb5: {  	s29 =	simm.s32 $0x9;
	_ =	strace $0x80000048  }
0xb6: {  	_ =	swait.ge [sflag:s29], $0x1  }
0xb7: {  	[sflag:s29] =	ssyncadd.s32 $0xFFFFFFFF  }
0xb8: {  	_ =	strace $0x90000048  }
0xb9: {  	_ =	sfence  }
0xba: {  	s30 =	sld [smem:$0x0];
	_ =	sdelay $0x2  }
0xbb: {  	s31 =	sshll.u32 s1, $0xD;
	s1 =	sshrl.u32 s1, $0x2  }
0xbc: {  	s3 =	sand.u32 $0x4000, s31;
	s1 =	sadd.s32 s1, s30  }
0xbd: {  	s0 =	sor.u32 s3, s0;
	s1 =	sshll.u32 s1, $0x11  }
0xbe: {  	s0 =	sor.u32 s1, s0  }
0xbf: {  	s0 =	sadd.s32 $0x8F2B, s0  }
0xc0: {  	[sflag:s0] =	ssyncadd.remote.s32 $0x1  }
0xc1: {  	_ =	sfence.sel $0xFFFF  }
0xc2: {  	[dreg:$0x0] =	wrdreg $0xFFFFFFFF;
	(pc) =	sbr.abs _section_cstart, $3  }
0xc3: {  	[dreg:$0x1] =	wrdreg $0xFFFFFFFF  }
0xc4: {  	_ =	task.clear_ibuf [dreg:s9], $0x2FFFF;
	_ =	strace $0x9FFFFFFF  }
0xc5: {  	(tm) =	ssettm $0x7FFFFFFF  }
tec
execute0_lowered:
.L_overlay_start_1:
0x0: {  	(tag) =	ssettag $0x1  }
0x1: {  	s1 =	rddreg [dreg:$0x0]  }
0x2: {  	s3 =	rddreg [dreg:$0x1]  }
0x3: {  	s4 =	rddreg [dreg:$0x2];
	s5 =	srdreg.scid  }
0x4: {  	s0 =	rddreg [dreg:$0x3];
	s2 =	stileid.u32;
	s11 =	simm.s32 $0x5  }
0x5: {  	s12 =	simm.s32 $0x1000;
	s13 =	simm.s32 $0x1;
	s14 =	simm.s32 $0x5000  }
0x6: {  	s15 =	simm.s32 $0x9000;
	s16 =	simm.s32 $0x2;
	s17 =	simm.s32 $0xD000  }
0x7: {  	s18 =	simm.s32 $0x3;
	s19 =	simm.s32 $0x4;
	s20 =	simm.s32 $0x0  }
0x8: {  	s6 =	sand.u32 $0x1, s5;
	s5 =	simm.s32 $0x0;
	s8 =	sshll.u32 s2, $0x1  }
0x9: {  	s7 =	ssub.s32 $0x2, s6;
	[smem:$0x7FF] =	sst s5;
	s6 =	sor.u32 s6, s8  }
0xa: {  	s9 =	sshrl.u32 s7, $0x1;
	_ =	strace $0x80000047;
	s8 =	sshll.u32 s6, $0x11  }
0xb: {  	s6 =	sshll.u32 s6, $0x8;
	s10 =	ssub.s32 s7, s9;
	s7 =	sadd.s32 s1, s8  }
0xc: {  	s8 =	sadd.s32 s4, s8;
	s9 =	sor.u32 $0x8, s6;
	s10 =	smax.u32 s10, $0x1  }
.LBB2_1:
0xd: {  	[tilespmem:s5], [sflag:$0x5] =	stream.linear.gather [hbm4b:s3+s5], $0x1000, $0x38;
	[tilespmem:$0x11000] =	vst v63  }
0xe: {  	_ =	swait.ge [sflag:s11], $0x1000  }
0xf: {  	[sflag:s11] =	ssyncset.done $0x0  }
0x10: {  	s21 =	simm.s32 $0x0;
	[sflag:s11] =	ssyncadd.s32 $0xFFFFF000  }
0x11: {  	[tilespmem:s12], [sflag:$0x1] =	stream.linear.gather [hbm4b:s7+s5], $0x4000, $0x38;
	[tilespmem:$0x11000] =	vst v63  }
.LBB2_2:
0x12: {  	s23 =	sshll.u32 s21, $0x3  }
0x13: {  	s22 =	sadd.s32 s23, s6  }
0x14: {  	s22 =	sshll.u32 s22, $0x9  }
0x15: {  	_ =	swait.ge [sflag:s13], $0x4000;
	s22 =	sadd.s32 $0x800, s22  }
0x16: {  	[sflag:s13] =	ssyncset.done $0x0;
	s22 =	sand.u32 $0x1FFFF800, s22  }
0x17: {  	p0 =	seq.s32 s21, $0x0;
	[sflag:s13] =	ssyncadd.s32 $0xFFFFC000;
	s24 =	sadd.s32 s1, s22  }
0x18: {  	[tilespmem:s14], [sflag:$0x2] =	stream.linear.gather [hbm4b:s24+s5], $0x4000, $0x38;
	[tilespmem:$0x11000] =	vst v63  }
0x19: {  	s24 =	simm.s32 @!p0 $0x3  }
0x1a: {  	_ =	swait.ge @!p0 [sflag:s24], $0x4000  }
0x1b: {  	[sflag:s24] =	ssyncset.done @!p0 $0x0  }
0x1c: {  	s31 =	simm.s32 $0x20;
	[sflag:s24] =	ssyncadd.s32 @!p0 $0xFFFFC000  }
0x1d: {  	v1 =	vld [tilespmem:s31+$0x10]  }
0x1e: {  	v2 =	vld [tilespmem:s31+$0xFFFFFFF0]  }
0x1f: {  	v3 =	vld [tilespmem:s31+$0x0]  }
0x20: {  	v4 =	vld [tilespmem:s31+$0xFFFFFFE0];
	_ =	sdelay $0x4  }
0x21: {  	v0 =	vld.idx.msk [tilespmem:v1+s12+$0x0], $0xffff  }
0x22: {  	v6 =	vadd.s32 $0x1000, v1;
	v5 =	vld.idx.msk [tilespmem:v2+s12+$0x0], $0xffff  }
0x23: {  	v7 =	vadd.s32 $0x1000, v2;
	v8 =	vld.idx.msk [tilespmem:v3+s12+$0x0], $0xffff  }
0x24: {  	s26 =	simm.s32 $0x60;
	v9 =	vadd.s32 $0x1000, v3;
	v10 =	vld.idx.msk [tilespmem:v4+s12+$0x0], $0xffff  }
0x25: {  	s24 =	simm.s32 $0xB010;
	v13 =	vld [tilespmem:s26+$0x0];
	v11 =	vadd.s32 $0x1000, v4  }
0x26: {  	v12 =	vld [tilespmem:s26+$0xFFFFFFF0];
	[tilespmem:s24+$0xFFFFE020] =	vst v0  }
0x27: {  	[tilespmem:s24+$0xFFFFE000] =	vst v5;
	v6 =	vld.idx.msk [tilespmem:v6+s12+$0x0], $0xffff  }
0x28: {  	[tilespmem:s24+$0xFFFFE010] =	vst v8;
	v5 =	vld.idx.msk [tilespmem:v7+s12+$0x0], $0xffff  }
0x29: {  	[tilespmem:s24+$0xFFFFDFF0] =	vst v10;
	v8 =	vld.idx.msk [tilespmem:v9+s12+$0x0], $0xffff  }
0x2a: {  	v7 =	vadd.s32 $0x2000, v1;
	v9 =	vld.idx.msk [tilespmem:v11+s12+$0x0], $0xffff  }
0x2b: {  	v11 =	vadd.s32 $0x2000, v4  }
0x2c: {  	v0 =	vld [tilespmem:s26+$0x10]  }
0x2d: {  	s25 =	simm.s32 $0x0;
	v15 =	vld.idx.msk [tilespmem:v13+s12+$0x0], $0xffff;
	[tilespmem:s24+$0xFFFFF020] =	vst v6  }
0x2e: {  	s31 =	sand.u32 $0xFC0, s25;
	v10 =	vadd.s32 $0x2000, v2;
	[tilespmem:s24+$0xFFFFF000] =	vst v5;
	v5 =	vld [tilespmem:s26+$0xFFFFFFE0]  }
0x2f: {  	[tilespmem:s31+$0xA000] =	vst v9;
	v7 =	vld.idx.msk [tilespmem:v7+s12+$0x0], $0xffff  }
0x30: {  	v6 =	vadd.s32 $0x2000, v3;
	[tilespmem:s24+$0xFFFFF010] =	vst v8;
	v8 =	vld.idx.msk [tilespmem:v11+s12+$0x0], $0xffff  }
0x31: {  	v18 =	vadd.s32 $0x1000, v13;
	v11 =	vld.idx.msk [tilespmem:v12+s12+$0x0], $0xffff  }
0x32: {  	v1 =	vadd.s32 $0x3000, v1  }
0x33: {  	s26 =	simm.s32 $0xB050;
	v9 =	vld.idx.msk [tilespmem:v10+s12+$0x0], $0xffff  }
0x34: {  	v4 =	vadd.s32 $0x3000, v4;
	[tilespmem:s26+$0xFFFFE010] =	vst v15;
	v10 =	vld.idx.msk [tilespmem:v0+s12+$0x0], $0xffff  }
0x35: {  	v2 =	vadd.s32 $0x3000, v2;
	v6 =	vld.idx.msk [tilespmem:v6+s12+$0x0], $0xffff;
	[tilespmem:s24+$0x20] =	vst v7  }
0x36: {  	v14 =	vadd.s32 $0x1000, v0;
	[tilespmem:s26+$0xFFFFE000] =	vst v11;
	v11 =	vld.idx.msk [tilespmem:v18+s12+$0x0], $0xffff  }
0x37: {  	v3 =	vadd.s32 $0x3000, v3;
	v1 =	vld.idx.msk [tilespmem:v1+s12+$0x0], $0xffff  }
0x38: {  	v16 =	vadd.s32 $0x1000, v12;
	[tilespmem:s31+$0xB000] =	vst v8;
	v17 =	vld.idx.msk [tilespmem:v5+s12+$0x0], $0xffff  }
0x39: {  	v20 =	vadd.s32 $0x1000, v5;
	[tilespmem:s24+$0x0] =	vst v9;
	v19 =	vld.idx.msk [tilespmem:v4+s12+$0x0], $0xffff  }
0x3a: {  	[tilespmem:s26+$0xFFFFE020] =	vst v10;
	v7 =	vld.idx.msk [tilespmem:v2+s12+$0x0], $0xffff  }
0x3b: {  	v9 =	vld.idx.msk [tilespmem:v14+s12+$0x0], $0xffff;
	[tilespmem:s24+$0x10] =	vst v6  }
0x3c: {  	v4 =	vadd.s32 $0x2000, v13;
	v2 =	vadd.s32 $0x3000, v13;
	v13 =	vadd.s32 $0x2000, v0;
	v8 =	vld.idx.msk [tilespmem:v3+s12+$0x0], $0xffff;
	[tilespmem:s24+$0x1020] =	vst v1  }
0x3d: {  	v10 =	vld.idx.msk [tilespmem:v16+s12+$0x0], $0xffff;
	v6 =	vadd.s32 $0x2000, v5;
	[tilespmem:s26+$0xFFFFDFF0] =	vst v17  }
0x3e: {  	s28 =	sshll.u32 s21, $0xC;
	s29 =	simm.s32 $0x4;
	s30 =	simm.s32 $0xA0;
	v5 =	vadd.s32 $0x3000, v5;
	v3 =	vadd.s32 $0x2000, v12;
	v1 =	vadd.s32 $0x3000, v12;
	[tilespmem:s31+$0xC000] =	vst v19;
	v12 =	vld.idx.msk [tilespmem:v20+s12+$0x0], $0xffff  }
.LBB2_3:
0x3f: {  	v14 =	vld [tilespmem:s30+$0x10];
	s29 =	sadd.s32 $0x4, s29;
	[tilespmem:s24+$0x1000] =	vst v7  }
0x40: {  	v7 =	vld [tilespmem:s30+$0xFFFFFFF0];
	p0 =	slt.u32 s29, $0xFC;
	[tilespmem:s26+$0xFFFFF020] =	vst v9  }
0x41: {  	v9 =	vld.idx.msk [tilespmem:v13+s12+$0x0], $0xffff;
	[tilespmem:s24+$0x1010] =	vst v8;
	s24 =	smov.u32 s26  }
0x42: {  	s25 =	sadd.s32 $0x40, s25;
	v8 =	vld [tilespmem:s30+$0x0];
	[tilespmem:s26+$0xFFFFF000] =	vst v10  }
0x43: {  	s31 =	sand.u32 $0xFC0, s25;
	v10 =	vld [tilespmem:s30+$0xFFFFFFE0];
	[tilespmem:s26+$0xFFFFF010] =	vst v11;
	v11 =	vadd.s32 $0x3000, v0  }
0x44: {  	[tilespmem:s31+$0xA000] =	vst v12;
	v12 =	vld.idx.msk [tilespmem:v3+s12+$0x0], $0xffff;
	v0 =	vmov v14  }
0x45: {  	v13 =	vadd.s32 $0x1000, v7;
	v3 =	vadd.s32 $0x2000, v7;
	v15 =	vadd.s32 $0x3000, v7;
	v16 =	vld.idx.msk [tilespmem:v6+s12+$0x0], $0xffff  }
0x46: {  	v17 =	vld.idx.msk [tilespmem:v4+s12+$0x0], $0xffff  }
0x47: {  	v18 =	vadd.s32 $0x1000, v8;
	v4 =	vadd.s32 $0x2000, v8;
	v19 =	vadd.s32 $0x3000, v8;
	v14 =	vld.idx.msk [tilespmem:v14+s12+$0x0], $0xffff;
	[tilespmem:s26+$0x20] =	vst v9  }
0x48: {  	v20 =	vadd.s32 $0x1000, v10;
	v6 =	vadd.s32 $0x2000, v10;
	v9 =	vadd.s32 $0x3000, v10;
	v11 =	vld.idx.msk [tilespmem:v11+s12+$0x0], $0xffff  }
0x49: {  	v22 =	vadd.s32 $0x1000, v0;
	v21 =	vld.idx.msk [tilespmem:v7+s12+$0x0], $0xffff  }
0x4a: {  	v23 =	vld.idx.msk [tilespmem:v8+s12+$0x0], $0xffff;
	[tilespmem:s26+$0x0] =	vst v12  }
0x4b: {  	v12 =	vld.idx.msk [tilespmem:v10+s12+$0x0], $0xffff;
	[tilespmem:s31+$0xB000] =	vst v16  }
0x4c: {  	s26 =	sadd.s32 $0x40, s26;
	v16 =	vld.idx.msk [tilespmem:v5+s12+$0x0], $0xffff;
	[tilespmem:s24+$0x10] =	vst v17;
	v5 =	vmov v9  }
0x4d: {  	[tilespmem:s26+$0xFFFFE020] =	vst v14;
	v7 =	vld.idx.msk [tilespmem:v1+s12+$0x0], $0xffff;
	v1 =	vmov v15  }
.Ltmp0:
0x4e: {  	v9 =	vld.idx.msk [tilespmem:v22+s12+$0x0], $0xffff;
	[tilespmem:s24+$0x1020] =	vst v11;
	(pc) =	sbr.rel @p0 .LBB2_3-.Ltmp0, $4  }
0x4f: {  	[tilespmem:s26+$0xFFFFE000] =	vst v21;
	v8 =	vld.idx.msk [tilespmem:v2+s12+$0x0], $0xffff;
	v2 =	vmov v19  }
0x50: {  	v10 =	vld.idx.msk [tilespmem:v13+s12+$0x0], $0xffff;
	[tilespmem:s26+$0xFFFFE010] =	vst v23;
	v13 =	vadd.s32 $0x2000, v0  }
0x51: {  	[tilespmem:s26+$0xFFFFDFF0] =	vst v12;
	v11 =	vld.idx.msk [tilespmem:v18+s12+$0x0], $0xffff  }
0x52: {  	s30 =	sadd.s32 $0x40, s30;
	v12 =	vld.idx.msk [tilespmem:v20+s12+$0x0], $0xffff;
	[tilespmem:s31+$0xC000] =	vst v16  }
0x53: {  	_ =	sdelay $0x2  }
0x54: {  	[tilespmem:s26+$0xFFFFF020] =	vst v9  }
0x55: {  	s25 =	sadd.s32 $0x40, s25;
	v9 =	vld.idx.msk [tilespmem:v13+s12+$0x0], $0xffff;
	[tilespmem:s26+$0xFFFFF000] =	vst v10  }
0x56: {  	v0 =	vadd.s32 $0x3000, v0;
	s25 =	sand.u32 $0xFC0, s25;
	[tilespmem:s26+$0xFFFFF010] =	vst v11;
	v3 =	vld.idx.msk [tilespmem:v3+s12+$0x0], $0xffff  }
0x57: {  	[tilespmem:s25+$0xA000] =	vst v12;
	v4 =	vld.idx.msk [tilespmem:v4+s12+$0x0], $0xffff  }
0x58: {  	v6 =	vld.idx.msk [tilespmem:v6+s12+$0x0], $0xffff;
	_ =	sdelay $0x1  }
0x59: {  	[tilespmem:s26+$0x20] =	vst v9  }
0x5a: {  	v0 =	vld.idx.msk [tilespmem:v0+s12+$0x0], $0xffff;
	[tilespmem:s26+$0x0] =	vst v3  }
0x5b: {  	[tilespmem:s26+$0x10] =	vst v4;
	v1 =	vld.idx.msk [tilespmem:v1+s12+$0x0], $0xffff  }
0x5c: {  	[tilespmem:s25+$0xB000] =	vst v6;
	v2 =	vld.idx.msk [tilespmem:v2+s12+$0x0], $0xffff  }
0x5d: {  	[tilespmem:s24+$0x1000] =	vst v7;
	v3 =	vld.idx.msk [tilespmem:v5+s12+$0x0], $0xffff  }
0x5e: {  	[tilespmem:s24+$0x1010] =	vst v8  }
0x5f: {  	[tilespmem:s26+$0x1020] =	vst v0  }
0x60: {  	[tilespmem:s26+$0x1000] =	vst v1  }
0x61: {  	p0 =	seq.s32 s21, $0x1F;
	[tilespmem:s26+$0x1010] =	vst v2  }
0x62: {  	s29 =	sadd.s32 s28, s8;
	s23 =	sadd.s32 @!p0 s23, s9;
	[tilespmem:s25+$0xC000] =	vst v3  }
0x63: {  	[hbm4b:s29+s5] =	stream.linear.scatter [tilespmem:s15], [sflag:$0x3], $0x4000, $0x38;
	[tilespmem:$0x11000] =	vst v63  }
0x64: {  	p1 =	seq.s32 @!p0 s21, $0x0;
	s23 =	sshll.u32 @!p0 s23, $0x9;
	_ =	swait.ge [sflag:s16], $0x4000  }
0x65: {  	s24 =	simm.s32 @!p0 $0x0;
	s23 =	sand.u32 @!p0 $0x1FFFF000, s23;
	[sflag:s16] =	ssyncset.done $0x0  }
0x66: {  	s23 =	sadd.s32 @!p0 s1, s23;
	s25 =	simm.s32 @!p0 $0x1000;
	[sflag:s16] =	ssyncadd.s32 $0xFFFFC000  }
0x67: {  	[tilespmem:s25], [sflag:$0x1] =	stream.linear.gather @!p0 [hbm4b:s23+s24], $0x4000, $0x38;
	[tilespmem:$0x11000] =	vst v63  }
0x68: {  	p0 =	por p0, !p1  }
0x69: {  	_ =	swait.ge @p0 [sflag:s19], $0x4000  }
0x6a: {  	[sflag:s19] =	ssyncset.done @p0 $0x0  }
0x6b: {  	s30 =	simm.s32 $0x20;
	[sflag:s19] =	ssyncadd.s32 @p0 $0xFFFFC000  }
0x6c: {  	v1 =	vld [tilespmem:s30+$0x10]  }
0x6d: {  	v2 =	vld [tilespmem:s30+$0xFFFFFFF0]  }
0x6e: {  	v3 =	vld [tilespmem:s30+$0x0]  }
0x6f: {  	v4 =	vld [tilespmem:s30+$0xFFFFFFE0];
	_ =	sdelay $0x4  }
0x70: {  	v0 =	vld.idx.msk [tilespmem:v1+s14+$0x0], $0xffff  }
0x71: {  	v6 =	vadd.s32 $0x1000, v1;
	v5 =	vld.idx.msk [tilespmem:v2+s14+$0x0], $0xffff  }
0x72: {  	v7 =	vadd.s32 $0x1000, v2;
	v8 =	vld.idx.msk [tilespmem:v3+s14+$0x0], $0xffff  }
0x73: {  	s31 =	simm.s32 $0x60;
	v9 =	vadd.s32 $0x1000, v3;
	v10 =	vld.idx.msk [tilespmem:v4+s14+$0x0], $0xffff  }
0x74: {  	s23 =	simm.s32 $0xF010;
	v13 =	vld [tilespmem:s31+$0x0];
	v11 =	vadd.s32 $0x1000, v4  }
0x75: {  	v12 =	vld [tilespmem:s31+$0xFFFFFFF0];
	[tilespmem:s23+$0xFFFFE020] =	vst v0  }
0x76: {  	[tilespmem:s23+$0xFFFFE000] =	vst v5;
	v6 =	vld.idx.msk [tilespmem:v6+s14+$0x0], $0xffff  }
0x77: {  	[tilespmem:s23+$0xFFFFE010] =	vst v8;
	v5 =	vld.idx.msk [tilespmem:v7+s14+$0x0], $0xffff  }
0x78: {  	[tilespmem:s23+$0xFFFFDFF0] =	vst v10;
	v8 =	vld.idx.msk [tilespmem:v9+s14+$0x0], $0xffff  }
0x79: {  	v7 =	vadd.s32 $0x2000, v1;
	v9 =	vld.idx.msk [tilespmem:v11+s14+$0x0], $0xffff  }
0x7a: {  	v11 =	vadd.s32 $0x2000, v4  }
0x7b: {  	v0 =	vld [tilespmem:s31+$0x10]  }
0x7c: {  	s24 =	simm.s32 $0x0;
	v15 =	vld.idx.msk [tilespmem:v13+s14+$0x0], $0xffff;
	[tilespmem:s23+$0xFFFFF020] =	vst v6  }
0x7d: {  	s29 =	sand.u32 $0xFC0, s24;
	v10 =	vadd.s32 $0x2000, v2;
	[tilespmem:s23+$0xFFFFF000] =	vst v5;
	v5 =	vld [tilespmem:s31+$0xFFFFFFE0]  }
0x7e: {  	[tilespmem:s29+$0xE000] =	vst v9;
	v7 =	vld.idx.msk [tilespmem:v7+s14+$0x0], $0xffff  }
0x7f: {  	v6 =	vadd.s32 $0x2000, v3;
	[tilespmem:s23+$0xFFFFF010] =	vst v8;
	v8 =	vld.idx.msk [tilespmem:v11+s14+$0x0], $0xffff  }
0x80: {  	v18 =	vadd.s32 $0x1000, v13;
	v11 =	vld.idx.msk [tilespmem:v12+s14+$0x0], $0xffff  }
0x81: {  	v1 =	vadd.s32 $0x3000, v1  }
0x82: {  	s25 =	simm.s32 $0xF050;
	v9 =	vld.idx.msk [tilespmem:v10+s14+$0x0], $0xffff  }
0x83: {  	[tilespmem:s25+$0xFFFFE010] =	vst v15;
	v4 =	vadd.s32 $0x3000, v4;
	v10 =	vld.idx.msk [tilespmem:v0+s14+$0x0], $0xffff  }
0x84: {  	v2 =	vadd.s32 $0x3000, v2;
	v6 =	vld.idx.msk [tilespmem:v6+s14+$0x0], $0xffff;
	[tilespmem:s23+$0x20] =	vst v7  }
0x85: {  	v14 =	vadd.s32 $0x1000, v0;
	[tilespmem:s25+$0xFFFFE000] =	vst v11;
	v11 =	vld.idx.msk [tilespmem:v18+s14+$0x0], $0xffff  }
0x86: {  	v3 =	vadd.s32 $0x3000, v3;
	v1 =	vld.idx.msk [tilespmem:v1+s14+$0x0], $0xffff  }
0x87: {  	v16 =	vadd.s32 $0x1000, v12;
	[tilespmem:s29+$0xF000] =	vst v8;
	v17 =	vld.idx.msk [tilespmem:v5+s14+$0x0], $0xffff  }
0x88: {  	v20 =	vadd.s32 $0x1000, v5;
	[tilespmem:s23+$0x0] =	vst v9;
	v19 =	vld.idx.msk [tilespmem:v4+s14+$0x0], $0xffff  }
0x89: {  	[tilespmem:s25+$0xFFFFE020] =	vst v10;
	v7 =	vld.idx.msk [tilespmem:v2+s14+$0x0], $0xffff  }
0x8a: {  	v9 =	vld.idx.msk [tilespmem:v14+s14+$0x0], $0xffff;
	[tilespmem:s23+$0x10] =	vst v6  }
0x8b: {  	v4 =	vadd.s32 $0x2000, v13;
	v2 =	vadd.s32 $0x3000, v13;
	v13 =	vadd.s32 $0x2000, v0;
	v8 =	vld.idx.msk [tilespmem:v3+s14+$0x0], $0xffff;
	[tilespmem:s23+$0x1020] =	vst v1  }
0x8c: {  	v10 =	vld.idx.msk [tilespmem:v16+s14+$0x0], $0xffff;
	v6 =	vadd.s32 $0x2000, v5;
	[tilespmem:s25+$0xFFFFDFF0] =	vst v17  }
0x8d: {  	s28 =	simm.s32 $0xA0;
	s26 =	simm.s32 $0x4;
	v5 =	vadd.s32 $0x3000, v5;
	v3 =	vadd.s32 $0x2000, v12;
	v1 =	vadd.s32 $0x3000, v12;
	[tilespmem:s29+$0x10000] =	vst v19;
	v12 =	vld.idx.msk [tilespmem:v20+s14+$0x0], $0xffff  }
.LBB2_5:
0x8e: {  	v14 =	vld [tilespmem:s28+$0x10];
	s26 =	sadd.s32 $0x4, s26;
	[tilespmem:s23+$0x1000] =	vst v7  }
0x8f: {  	v7 =	vld [tilespmem:s28+$0xFFFFFFF0];
	p0 =	slt.u32 s26, $0xFC;
	[tilespmem:s25+$0xFFFFF020] =	vst v9  }
0x90: {  	v9 =	vld.idx.msk [tilespmem:v13+s14+$0x0], $0xffff;
	[tilespmem:s23+$0x1010] =	vst v8;
	s23 =	smov.u32 s25  }
0x91: {  	s24 =	sadd.s32 $0x40, s24;
	v8 =	vld [tilespmem:s28+$0x0];
	[tilespmem:s25+$0xFFFFF000] =	vst v10  }
0x92: {  	s29 =	sand.u32 $0xFC0, s24;
	v10 =	vld [tilespmem:s28+$0xFFFFFFE0];
	[tilespmem:s25+$0xFFFFF010] =	vst v11;
	v11 =	vadd.s32 $0x3000, v0  }
0x93: {  	[tilespmem:s29+$0xE000] =	vst v12;
	v12 =	vld.idx.msk [tilespmem:v3+s14+$0x0], $0xffff;
	v0 =	vmov v14  }
0x94: {  	v13 =	vadd.s32 $0x1000, v7;
	v3 =	vadd.s32 $0x2000, v7;
	v15 =	vadd.s32 $0x3000, v7;
	v16 =	vld.idx.msk [tilespmem:v6+s14+$0x0], $0xffff  }
0x95: {  	v17 =	vld.idx.msk [tilespmem:v4+s14+$0x0], $0xffff  }
0x96: {  	v18 =	vadd.s32 $0x1000, v8;
	v4 =	vadd.s32 $0x2000, v8;
	v19 =	vadd.s32 $0x3000, v8;
	v14 =	vld.idx.msk [tilespmem:v14+s14+$0x0], $0xffff;
	[tilespmem:s25+$0x20] =	vst v9  }
0x97: {  	v20 =	vadd.s32 $0x1000, v10;
	v6 =	vadd.s32 $0x2000, v10;
	v9 =	vadd.s32 $0x3000, v10;
	v11 =	vld.idx.msk [tilespmem:v11+s14+$0x0], $0xffff  }
0x98: {  	v22 =	vadd.s32 $0x1000, v0;
	v21 =	vld.idx.msk [tilespmem:v7+s14+$0x0], $0xffff  }
0x99: {  	v23 =	vld.idx.msk [tilespmem:v8+s14+$0x0], $0xffff;
	[tilespmem:s25+$0x0] =	vst v12  }
0x9a: {  	v12 =	vld.idx.msk [tilespmem:v10+s14+$0x0], $0xffff;
	[tilespmem:s29+$0xF000] =	vst v16  }
0x9b: {  	s25 =	sadd.s32 $0x40, s25;
	v16 =	vld.idx.msk [tilespmem:v5+s14+$0x0], $0xffff;
	[tilespmem:s23+$0x10] =	vst v17;
	v5 =	vmov v9  }
0x9c: {  	[tilespmem:s25+$0xFFFFE020] =	vst v14;
	v7 =	vld.idx.msk [tilespmem:v1+s14+$0x0], $0xffff;
	v1 =	vmov v15  }
.Ltmp1:
0x9d: {  	v9 =	vld.idx.msk [tilespmem:v22+s14+$0x0], $0xffff;
	[tilespmem:s23+$0x1020] =	vst v11;
	(pc) =	sbr.rel @p0 .LBB2_5-.Ltmp1, $4  }
0x9e: {  	[tilespmem:s25+$0xFFFFE000] =	vst v21;
	v8 =	vld.idx.msk [tilespmem:v2+s14+$0x0], $0xffff;
	v2 =	vmov v19  }
0x9f: {  	v10 =	vld.idx.msk [tilespmem:v13+s14+$0x0], $0xffff;
	[tilespmem:s25+$0xFFFFE010] =	vst v23;
	v13 =	vadd.s32 $0x2000, v0  }
0xa0: {  	[tilespmem:s25+$0xFFFFDFF0] =	vst v12;
	v11 =	vld.idx.msk [tilespmem:v18+s14+$0x0], $0xffff  }
0xa1: {  	s28 =	sadd.s32 $0x40, s28;
	v12 =	vld.idx.msk [tilespmem:v20+s14+$0x0], $0xffff;
	[tilespmem:s29+$0x10000] =	vst v16  }
0xa2: {  	_ =	sdelay $0x2  }
0xa3: {  	[tilespmem:s25+$0xFFFFF020] =	vst v9  }
0xa4: {  	s24 =	sadd.s32 $0x40, s24;
	v9 =	vld.idx.msk [tilespmem:v13+s14+$0x0], $0xffff;
	[tilespmem:s25+$0xFFFFF000] =	vst v10  }
0xa5: {  	v0 =	vadd.s32 $0x3000, v0;
	s24 =	sand.u32 $0xFC0, s24;
	[tilespmem:s25+$0xFFFFF010] =	vst v11;
	v3 =	vld.idx.msk [tilespmem:v3+s14+$0x0], $0xffff  }
0xa6: {  	[tilespmem:s24+$0xE000] =	vst v12;
	v4 =	vld.idx.msk [tilespmem:v4+s14+$0x0], $0xffff  }
0xa7: {  	v6 =	vld.idx.msk [tilespmem:v6+s14+$0x0], $0xffff;
	_ =	sdelay $0x1  }
0xa8: {  	[tilespmem:s25+$0x20] =	vst v9  }
0xa9: {  	v0 =	vld.idx.msk [tilespmem:v0+s14+$0x0], $0xffff;
	[tilespmem:s25+$0x0] =	vst v3  }
0xaa: {  	[tilespmem:s25+$0x10] =	vst v4;
	v1 =	vld.idx.msk [tilespmem:v1+s14+$0x0], $0xffff  }
0xab: {  	[tilespmem:s24+$0xF000] =	vst v6;
	v2 =	vld.idx.msk [tilespmem:v2+s14+$0x0], $0xffff  }
0xac: {  	[tilespmem:s23+$0x1000] =	vst v7;
	s21 =	sadd.s32 $0x1, s21;
	v63 =	vld.idx.msk [tilespmem:v5+s14+$0x0], $0xffff  }
0xad: {  	[tilespmem:s23+$0x1010] =	vst v8;
	p0 =	sne.s32 s21, $0x20  }
.Ltmp2:
0xae: {  	[tilespmem:s25+$0x1020] =	vst v0;
	(pc) =	sbr.rel @p0 .LBB2_2-.Ltmp2, $4  }
0xaf: {  	[tilespmem:s25+$0x1000] =	vst v1  }
0xb0: {  	[tilespmem:s25+$0x1010] =	vst v2  }
0xb1: {  	s22 =	sadd.s32 s4, s22;
	[tilespmem:s24+$0x10000] =	vst v63  }
0xb2: {  	[hbm4b:s22+s5] =	stream.linear.scatter [tilespmem:s17], [sflag:$0x4], $0x4000, $0x38;
	[tilespmem:$0x11000] =	vst v63  }
0xb3: {  	s20 =	sadd.s32 $0x1, s20  }
0xb4: {  	_ =	swait.ge [sflag:s18], $0x4000;
	p0 =	sne.s32 s20, s10  }
.Ltmp3:
0xb5: {  	[sflag:s18] =	ssyncset.done $0x0;
	(pc) =	sbr.rel @p0 .LBB2_1-.Ltmp3, $4  }
0xb6: {  	[sflag:s18] =	ssyncadd.s32 $0xFFFFC000  }
0xb7: {  	_ =	swait.ge [sflag:s19], $0x4000  }
0xb8: {  	[sflag:s19] =	ssyncset.done $0x0  }
0xb9: {  	[sflag:s19] =	ssyncadd.s32 $0xFFFFC000  }
0xba: {  	_ =	sfence.sel $0x180000  }
0xbb: {  	[bflag:$0x0] =	sbarrier.arrive $0xFFFF  }
0xbc: {  	p0 =	sne.s32 s2, $0x0;
	_ =	strace $0x90000047  }
0xbd: {  	s0 =	sadd.s32 @!p0 $0x100000, s0;
	[bflag:$0x2] =	sbarrier.arrive $0xFFFF  }
0xbe: {  	[sflag:s0] =	ssyncadd.tile.s32 @!p0 $0x1;
	_ =	shalt  }
.Lfunc_end2:
_tile_overlayer_lowered:
.L_overlay_start_2:
0xbf: {  	(tag) =	ssettag $0x2  }
0xc0: {  	s0 =	rddreg [dreg:$0x0];
	s2 =	stileid.u32  }
0xc1: {  	s1 =	rddreg [dreg:$0x1];
	p0 =	sne.s32 s2, $0x0  }
0xc2: {  	s3 =	rddreg [dreg:$0x2];
	[bflag:$0x3] =	sbarrier.arrive $0xFFFF;
	s2 =	simm.s32 @!p0 $0x1C05  }
0xc3: {  	[timem:s3], [sflag:s2] =	dma.local @!p0 [hbm:s0], s1  }
0xc4: {  	s0 =	simm.s32 @!p0 $0x5  }
0xc5: {  	_ =	swait.ge @!p0 [sflag:s0], s1  }
0xc6: {  	s1 =	ssub.s32 @!p0 $0x0, s1;
	[sflag:s0] =	ssyncset.done @!p0 $0x0  }
0xc7: {  	[sflag:s0] =	ssyncadd.s32 @!p0 s1  }
0xc8: {  	[bflag:$0x3] =	sbarrier.arrive $0xFFFF  }
0xc9: {  	_ =	shalt  }

</sc_bundles>
